<compile_context>
chip_gen: v7x
topology: tpu7x:2x2x1
jax: 0.10.2.dev20260603
libtpu: 0.0.44.dev20260713+nightly
codegen_flags: <defaults>
</compile_context>

<pallas_src>
import functools

import jax
import jax.numpy as jnp
from jax import lax
from jax.experimental import pallas as pl
from jax.experimental.pallas import tpu as pltpu
from jax.experimental.pallas import tpu_sc as plsc

HC = 2


def kernel(x):
    B, C, H, W = x.shape
    C2 = 2 * C
    info = plsc.get_sparse_core_info()
    NC, NS = info.num_cores, info.num_subcores
    NW = NC * NS
    QP = NW // B
    HPW = H // QP
    NCH = HPW // HC

    xt = jnp.transpose(x, (0, 2, 3, 1))

    mesh = plsc.VectorSubcoreMesh(core_axis_name="c", subcore_axis_name="s")

    @functools.partial(
        pl.kernel,
        out_type=jax.ShapeDtypeStruct((B, H, W, C2), x.dtype),
        mesh=mesh,
        scratch_types=[
            pltpu.VMEM((2, HC, W, C), jnp.float32),
            pltpu.VMEM((HC, W, C), jnp.float32),
            pltpu.SemaphoreType.DMA((2,)),
            pltpu.SemaphoreType.DMA((2,)),
            pltpu.SemaphoreType.DMA,
        ],
    )
    def run(x_hbm, z_hbm, o_hbm, bufs, zbuf, sem_in, sem_out, zsem):
        w = lax.axis_index("s") * NC + lax.axis_index("c")
        b = w // QP
        h0 = (w % QP) * HPW

        def rd(k, slot):
            return pltpu.make_async_copy(
                x_hbm.at[b, pl.ds(h0 + k * HC, HC)],
                bufs.at[slot],
                sem_in.at[slot],
            )

        def wr(k, slot):
            return pltpu.make_async_copy(
                bufs.at[slot],
                o_hbm.at[b, pl.ds(h0 + k * HC, HC), slice(None), pl.ds(0, C)],
                sem_out.at[slot],
            )

        def zwr(k):
            return pltpu.make_async_copy(
                zbuf,
                o_hbm.at[b, pl.ds(h0 + k * HC, HC), slice(None), pl.ds(C, C)],
                zsem,
            )

        pltpu.sync_copy(z_hbm, zbuf)
        rd(0, 0).start()

        def body(k, carry):
            slot = lax.rem(k, 2)
            nslot = lax.rem(k + 1, 2)

            @pl.when(k + 1 < NCH)
            def _prefetch():
                @pl.when(k >= 1)
                def _():
                    wr(k - 1, nslot).wait()

                rd(k + 1, nslot).start()

            rd(k, slot).wait()
            wr(k, slot).start()
            zwr(k).start()

            @pl.when(k >= 2)
            def _():
                zwr(k - 2).wait()

            return carry

        lax.fori_loop(0, NCH, body, 0)

        wr(NCH - 1, lax.rem(NCH - 1, 2)).wait()
        zwr(NCH - 2).wait()
        zwr(NCH - 1).wait()

    out_t = run(xt, jnp.zeros((HC, W, C), x.dtype))
    return jnp.transpose(out_t, (0, 3, 1, 2))

# --- scband reference (transcript-rebuilt; emitter-appended) ---
"""Pipeline reference for scband-zero-padding-14018773254657 (READ-ONLY COPY).

The authoritative reference and input builder live on the scoring server;
editing this copy changes nothing except your own understanding.
"""

import jax, jax.numpy as jnp
import numpy as np

NUM_CHANNELS = 768
KEEP_IDX = jnp.arange(384, dtype=jnp.int32)


def setup_inputs(seed: int = 0) -> dict:
    key = jax.random.key(seed)
    x = jax.random.normal(key, (8, 384, 56, 56), dtype=jnp.float32)
    return {"x": x}


def reference(x):
    B, C, H, W = x.shape
    out = jnp.zeros((B, NUM_CHANNELS, H, W), dtype=x.dtype)
    out = out.at[:, KEEP_IDX, :, :].set(x)
    return out

if __name__ == "__main__":
    import jax
    _d = setup_inputs()
    print(jax.jit(kernel)(*tuple(_d.values())))

</pallas_src>

<mosaic_0001>
#map = affine_map<(d0, d1) -> (0, 0, 0, 0)>
#map1 = affine_map<(d0, d1) -> (0, 0, 0)>
module attributes {stable_mosaic.version = 14 : i64} {
  func.func @run(%arg0: i32, %arg1: i32, %arg2: memref<8x56x56x384xf32, #tpu.memory_space<hbm>>, %arg3: memref<2x56x384xf32, #tpu.memory_space<hbm>>, %arg4: memref<8x56x56x768xf32, #tpu.memory_space<hbm>>, %arg5: memref<2x2x56x384xf32, #tpu.memory_space<vmem>>, %arg6: memref<2x56x384xf32, #tpu.memory_space<vmem>>, %arg7: memref<2x!tpu.dma_semaphore, #tpu.memory_space<semaphore_mem>>, %arg8: memref<2x!tpu.dma_semaphore, #tpu.memory_space<semaphore_mem>>, %arg9: memref<!tpu.dma_semaphore, #tpu.memory_space<semaphore_mem>>) attributes {dimension_semantics = [#tpu.dimension_semantics<core_parallel>, #tpu.dimension_semantics<subcore_parallel>], iteration_bounds = array<i64: 2, 16>, scalar_prefetch = 0 : i64, scratch_operands = 5 : i64, tpu.core_type = #tpu.core_type<sc_vector_subcore>, window_params = [{transform_indices = #map}, {transform_indices = #map1}, {transform_indices = #map}]} {
    %mul3A = arith.constant 2 : i32
    %mul3A_0 = arith.muli %arg1, %mul3A : i32
    %add3A = arith.addi %mul3A_0, %arg0 : i32
    %jit3A = arith.constant 4 : i32
    %div3A = arith.divsi %add3A, %jit3A : i32
    %sign3A = arith.constant 0 : i32
    %sign3A_1 = arith.cmpi sgt, %add3A, %sign3A : i32
    %sign3A_2 = arith.extui %sign3A_1 : i1 to i32
    %sign3A_3 = arith.constant 0 : i32
    %sign3A_4 = arith.cmpi slt, %add3A, %sign3A_3 : i32
    %sign3A_5 = arith.extui %sign3A_4 : i1 to i32
    %sign3A_6 = arith.subi %sign3A_2, %sign3A_5 : i32
    %sign3A_7 = arith.constant 0 : i32
    %sign3A_8 = arith.cmpi sgt, %jit3A, %sign3A_7 : i32
    %sign3A_9 = arith.extui %sign3A_8 : i1 to i32
    %sign3A_10 = arith.constant 0 : i32
    %sign3A_11 = arith.cmpi slt, %jit3A, %sign3A_10 : i32
    %sign3A_12 = arith.extui %sign3A_11 : i1 to i32
    %sign3A_13 = arith.subi %sign3A_9, %sign3A_12 : i32
    %ne3A = arith.cmpi ne, %sign3A_6, %sign3A_13 : i32
    %rem3A = arith.remsi %add3A, %jit3A : i32
    %ne3A_14 = arith.constant 0 : i32
    %ne3A_15 = arith.cmpi ne, %rem3A, %ne3A_14 : i32
    %and3A = arith.andi %ne3A, %ne3A_15 : i1
    %sub3A = arith.constant 1 : i32
    %sub3A_16 = arith.subi %div3A, %sub3A : i32
    %select_n3A = arith.select %and3A, %sub3A_16, %div3A : i32
    %jit3A_17 = arith.constant 4 : i32
    %eq3A = arith.constant 0 : i32
    %eq3A_18 = arith.cmpi eq, %jit3A_17, %eq3A : i32
    %jit3A_19 = arith.constant 1 : i32
    %select_n3A_20 = arith.select %eq3A_18, %jit3A_19, %jit3A_17 : i32
    %rem3A_21 = arith.remsi %add3A, %select_n3A_20 : i32
    %ne3A_22 = arith.constant 0 : i32
    %ne3A_23 = arith.cmpi ne, %rem3A_21, %ne3A_22 : i32
    %lt3A = arith.constant 0 : i32
    %lt3A_24 = arith.cmpi slt, %rem3A_21, %lt3A : i32
    %lt3A_25 = arith.constant 0 : i32
    %lt3A_26 = arith.cmpi slt, %select_n3A_20, %lt3A_25 : i32
    %ne3A_27 = arith.xori %lt3A_24, %lt3A_26 : i1
    %and3A_28 = arith.andi %ne3A_27, %ne3A_23 : i1
    %add3A_29 = arith.addi %rem3A_21, %select_n3A_20 : i32
    %select_n3A_30 = arith.select %and3A_28, %add3A_29, %rem3A_21 : i32
    %mul3A_31 = arith.constant 14 : i32
    %mul3A_32 = arith.muli %select_n3A_30, %mul3A_31 : i32
    "tpu.region"() ({
      %run_scoped3A = tpu.sem_alloc : memref<!tpu.dma_semaphore, #tpu.memory_space<semaphore_mem>>
      tpu.enqueue_dma source(%arg3 : memref<2x56x384xf32, #tpu.memory_space<hbm>>) target(%arg6 : memref<2x56x384xf32, #tpu.memory_space<vmem>>) target_semaphore(%run_scoped3A : memref<!tpu.dma_semaphore, #tpu.memory_space<semaphore_mem>>)
      tpu.wait_dma2 semaphore(%run_scoped3A : memref<!tpu.dma_semaphore, #tpu.memory_space<semaphore_mem>>) src(%arg3 : memref<2x56x384xf32, #tpu.memory_space<hbm>>) dst(%arg6 : memref<2x56x384xf32, #tpu.memory_space<vmem>>)
      tpu.yield
    }) : () -> ()
    %add3A_33 = arith.constant 0 : i32
    %add3A_34 = arith.addi %mul3A_32, %add3A_33 : i32
    %dma_start3A = arith.constant 0 : i32
    %dma_start3A_35 = arith.constant 0 : i32
    %dma_start3A_36 = arith.constant 0 : i32
    %dma_start3A_37 = arith.constant 0 : i32
    %dma_start3A_38 = arith.constant 0 : i32
    %dma_start3A_39 = tpu.memref_slice %arg5[%dma_start3A, %dma_start3A_36, %dma_start3A_37, %dma_start3A_38] : memref<2x2x56x384xf32, #tpu.memory_space<vmem>> -> memref<1x2x56x384xf32, #tpu.memory_space<vmem>>
    %dma_start3A_40 = tpu.memref_squeeze %dma_start3A_39 : memref<1x2x56x384xf32, #tpu.memory_space<vmem>> -> memref<2x56x384xf32, #tpu.memory_space<vmem>>
    %dma_start3A_41 = arith.constant 0 : i32
    %dma_start3A_42 = arith.constant 0 : i32
    %dma_start3A_43 = tpu.memref_slice %arg2[%select_n3A, %add3A_34, %dma_start3A_41, %dma_start3A_42] : memref<8x56x56x384xf32, #tpu.memory_space<hbm>> -> memref<1x2x56x384xf32, #tpu.memory_space<hbm>>
    %dma_start3A_44 = tpu.memref_squeeze %dma_start3A_43 : memref<1x2x56x384xf32, #tpu.memory_space<hbm>> -> memref<2x56x384xf32, #tpu.memory_space<hbm>>
    %dma_start3A_45 = tpu.memref_slice %arg7[%dma_start3A_35] : memref<2x!tpu.dma_semaphore, #tpu.memory_space<semaphore_mem>> -> memref<1x!tpu.dma_semaphore, #tpu.memory_space<semaphore_mem>>
    %dma_start3A_46 = tpu.memref_squeeze %dma_start3A_45 : memref<1x!tpu.dma_semaphore, #tpu.memory_space<semaphore_mem>> -> memref<!tpu.dma_semaphore, #tpu.memory_space<semaphore_mem>>
    %dma_start3A_47 = arith.constant 0 : i32
    %dma_start3A_48 = arith.constant 0 : i32
    %dma_start3A_49 = arith.constant 0 : i32
    %dma_start3A_50 = tpu.memref_slice %arg5[%dma_start3A, %dma_start3A_47, %dma_start3A_48, %dma_start3A_49] : memref<2x2x56x384xf32, #tpu.memory_space<vmem>> -> memref<1x2x56x384xf32, #tpu.memory_space<vmem>>
    %dma_start3A_51 = tpu.memref_squeeze %dma_start3A_50 : memref<1x2x56x384xf32, #tpu.memory_space<vmem>> -> memref<2x56x384xf32, #tpu.memory_space<vmem>>
    %dma_start3A_52 = arith.constant 0 : i32
    %dma_start3A_53 = arith.constant 0 : i32
    %dma_start3A_54 = tpu.memref_slice %arg2[%select_n3A, %add3A_34, %dma_start3A_52, %dma_start3A_53] : memref<8x56x56x384xf32, #tpu.memory_space<hbm>> -> memref<1x2x56x384xf32, #tpu.memory_space<hbm>>
    %dma_start3A_55 = tpu.memref_squeeze %dma_start3A_54 : memref<1x2x56x384xf32, #tpu.memory_space<hbm>> -> memref<2x56x384xf32, #tpu.memory_space<hbm>>
    tpu.enqueue_dma source(%dma_start3A_55 : memref<2x56x384xf32, #tpu.memory_space<hbm>>) target(%dma_start3A_51 : memref<2x56x384xf32, #tpu.memory_space<vmem>>) target_semaphore(%dma_start3A_46 : memref<!tpu.dma_semaphore, #tpu.memory_space<semaphore_mem>>)
    %scan3A = arith.constant 0 : i32
    %scan3A_56 = arith.constant 0 : i32
    %scan3A_57 = arith.constant 7 : i32
    %scan3A_58 = arith.addi %scan3A_56, %scan3A_57 : i32
    %scan3A_59 = arith.constant 1 : i32
    scf.for %scan3A_105 = %scan3A_56 to %scan3A_58 step %scan3A_59  : i32 {
      %rem3A_106 = arith.constant 2 : i32
      %rem3A_107 = arith.remsi %scan3A_105, %rem3A_106 : i32
      %add3A_108 = arith.constant 1 : i32
      %add3A_109 = arith.addi %scan3A_105, %add3A_108 : i32
      %rem3A_110 = arith.constant 2 : i32
      %rem3A_111 = arith.remsi %add3A_109, %rem3A_110 : i32
      %add3A_112 = arith.constant 1 : i32
      %add3A_113 = arith.addi %scan3A_105, %add3A_112 : i32
      %lt3A_114 = arith.constant 7 : i32
      %lt3A_115 = arith.cmpi slt, %add3A_113, %lt3A_114 : i32
      %convert_element_type3A = arith.extui %lt3A_115 : i1 to i32
      %cond3A = arith.constant 0 : i32
      %cond3A_116 = arith.cmpi ne, %convert_element_type3A, %cond3A : i32
      scf.if %cond3A_116 {
        %ge3A_178 = arith.constant 1 : i32
        %ge3A_179 = arith.cmpi sge, %scan3A_105, %ge3A_178 : i32
        %convert_element_type3A_180 = arith.extui %ge3A_179 : i1 to i32
        %cond3A_181 = arith.constant 0 : i32
        %cond3A_182 = arith.cmpi ne, %convert_element_type3A_180, %cond3A_181 : i32
        scf.if %cond3A_182 {
          %sub3A_208 = arith.constant 1 : i32
          %sub3A_209 = arith.subi %scan3A_105, %sub3A_208 : i32
          %mul3A_210 = arith.constant 2 : i32
          %mul3A_211 = arith.muli %sub3A_209, %mul3A_210 : i32
          %add3A_212 = arith.addi %mul3A_32, %mul3A_211 : i32
          %dma_wait3A_213 = arith.constant 0 : i32
          %dma_wait3A_214 = arith.constant 0 : i32
          %dma_wait3A_215 = arith.constant 0 : i32
          %dma_wait3A_216 = tpu.memref_slice %arg5[%rem3A_111, %dma_wait3A_213, %dma_wait3A_214, %dma_wait3A_215] : memref<2x2x56x384xf32, #tpu.memory_space<vmem>> -> memref<1x2x56x384xf32, #tpu.memory_space<vmem>>
          %dma_wait3A_217 = tpu.memref_squeeze %dma_wait3A_216 : memref<1x2x56x384xf32, #tpu.memory_space<vmem>> -> memref<2x56x384xf32, #tpu.memory_space<vmem>>
          %dma_wait3A_218 = arith.constant 0 : i32
          %dma_wait3A_219 = arith.constant 0 : i32
          %dma_wait3A_220 = tpu.memref_slice %arg4[%select_n3A, %add3A_212, %dma_wait3A_218, %dma_wait3A_219] : memref<8x56x56x768xf32, #tpu.memory_space<hbm>> -> memref<1x2x56x384xf32, #tpu.memory_space<hbm>>
          %dma_wait3A_221 = tpu.memref_squeeze %dma_wait3A_220 : memref<1x2x56x384xf32, #tpu.memory_space<hbm>> -> memref<2x56x384xf32, #tpu.memory_space<hbm>>
          %dma_wait3A_222 = tpu.memref_slice %arg8[%rem3A_111] : memref<2x!tpu.dma_semaphore, #tpu.memory_space<semaphore_mem>> -> memref<1x!tpu.dma_semaphore, #tpu.memory_space<semaphore_mem>>
          %dma_wait3A_223 = tpu.memref_squeeze %dma_wait3A_222 : memref<1x!tpu.dma_semaphore, #tpu.memory_space<semaphore_mem>> -> memref<!tpu.dma_semaphore, #tpu.memory_space<semaphore_mem>>
          %dma_wait3A_224 = arith.constant 0 : i32
          %dma_wait3A_225 = arith.constant 0 : i32
          %dma_wait3A_226 = tpu.memref_slice %arg4[%select_n3A, %add3A_212, %dma_wait3A_224, %dma_wait3A_225] : memref<8x56x56x768xf32, #tpu.memory_space<hbm>> -> memref<1x2x56x384xf32, #tpu.memory_space<hbm>>
          %dma_wait3A_227 = tpu.memref_squeeze %dma_wait3A_226 : memref<1x2x56x384xf32, #tpu.memory_space<hbm>> -> memref<2x56x384xf32, #tpu.memory_space<hbm>>
          %dma_wait3A_228 = arith.constant 0 : i32
          %dma_wait3A_229 = arith.constant 0 : i32
          %dma_wait3A_230 = arith.constant 0 : i32
          %dma_wait3A_231 = tpu.memref_slice %arg5[%rem3A_111, %dma_wait3A_228, %dma_wait3A_229, %dma_wait3A_230] : memref<2x2x56x384xf32, #tpu.memory_space<vmem>> -> memref<1x2x56x384xf32, #tpu.memory_space<vmem>>
          %dma_wait3A_232 = tpu.memref_squeeze %dma_wait3A_231 : memref<1x2x56x384xf32, #tpu.memory_space<vmem>> -> memref<2x56x384xf32, #tpu.memory_space<vmem>>
          tpu.wait_dma2 semaphore(%dma_wait3A_223 : memref<!tpu.dma_semaphore, #tpu.memory_space<semaphore_mem>>) src(%dma_wait3A_232 : memref<2x56x384xf32, #tpu.memory_space<vmem>>) dst(%dma_wait3A_227 : memref<2x56x384xf32, #tpu.memory_space<hbm>>)
        } else {
        }
        %add3A_183 = arith.constant 1 : i32
        %add3A_184 = arith.addi %scan3A_105, %add3A_183 : i32
        %mul3A_185 = arith.constant 2 : i32
        %mul3A_186 = arith.muli %add3A_184, %mul3A_185 : i32
        %add3A_187 = arith.addi %mul3A_32, %mul3A_186 : i32
        %dma_start3A_188 = arith.constant 0 : i32
        %dma_start3A_189 = arith.constant 0 : i32
        %dma_start3A_190 = arith.constant 0 : i32
        %dma_start3A_191 = tpu.memref_slice %arg5[%rem3A_111, %dma_start3A_188, %dma_start3A_189, %dma_start3A_190] : memref<2x2x56x384xf32, #tpu.memory_space<vmem>> -> memref<1x2x56x384xf32, #tpu.memory_space<vmem>>
        %dma_start3A_192 = tpu.memref_squeeze %dma_start3A_191 : memref<1x2x56x384xf32, #tpu.memory_space<vmem>> -> memref<2x56x384xf32, #tpu.memory_space<vmem>>
        %dma_start3A_193 = arith.constant 0 : i32
        %dma_start3A_194 = arith.constant 0 : i32
        %dma_start3A_195 = tpu.memref_slice %arg2[%select_n3A, %add3A_187, %dma_start3A_193, %dma_start3A_194] : memref<8x56x56x384xf32, #tpu.memory_space<hbm>> -> memref<1x2x56x384xf32, #tpu.memory_space<hbm>>
        %dma_start3A_196 = tpu.memref_squeeze %dma_start3A_195 : memref<1x2x56x384xf32, #tpu.memory_space<hbm>> -> memref<2x56x384xf32, #tpu.memory_space<hbm>>
        %dma_start3A_197 = tpu.memref_slice %arg7[%rem3A_111] : memref<2x!tpu.dma_semaphore, #tpu.memory_space<semaphore_mem>> -> memref<1x!tpu.dma_semaphore, #tpu.memory_space<semaphore_mem>>
        %dma_start3A_198 = tpu.memref_squeeze %dma_start3A_197 : memref<1x!tpu.dma_semaphore, #tpu.memory_space<semaphore_mem>> -> memref<!tpu.dma_semaphore, #tpu.memory_space<semaphore_mem>>
        %dma_start3A_199 = arith.constant 0 : i32
        %dma_start3A_200 = arith.constant 0 : i32
        %dma_start3A_201 = arith.constant 0 : i32
        %dma_start3A_202 = tpu.memref_slice %arg5[%rem3A_111, %dma_start3A_199, %dma_start3A_200, %dma_start3A_201] : memref<2x2x56x384xf32, #tpu.memory_space<vmem>> -> memref<1x2x56x384xf32, #tpu.memory_space<vmem>>
        %dma_start3A_203 = tpu.memref_squeeze %dma_start3A_202 : memref<1x2x56x384xf32, #tpu.memory_space<vmem>> -> memref<2x56x384xf32, #tpu.memory_space<vmem>>
        %dma_start3A_204 = arith.constant 0 : i32
        %dma_start3A_205 = arith.constant 0 : i32
        %dma_start3A_206 = tpu.memref_slice %arg2[%select_n3A, %add3A_187, %dma_start3A_204, %dma_start3A_205] : memref<8x56x56x384xf32, #tpu.memory_space<hbm>> -> memref<1x2x56x384xf32, #tpu.memory_space<hbm>>
        %dma_start3A_207 = tpu.memref_squeeze %dma_start3A_206 : memref<1x2x56x384xf32, #tpu.memory_space<hbm>> -> memref<2x56x384xf32, #tpu.memory_space<hbm>>
        tpu.enqueue_dma source(%dma_start3A_207 : memref<2x56x384xf32, #tpu.memory_space<hbm>>) target(%dma_start3A_203 : memref<2x56x384xf32, #tpu.memory_space<vmem>>) target_semaphore(%dma_start3A_198 : memref<!tpu.dma_semaphore, #tpu.memory_space<semaphore_mem>>)
      } else {
      }
      %mul3A_117 = arith.constant 2 : i32
      %mul3A_118 = arith.muli %scan3A_105, %mul3A_117 : i32
      %add3A_119 = arith.addi %mul3A_32, %mul3A_118 : i32
      %dma_wait3A_120 = arith.constant 0 : i32
      %dma_wait3A_121 = arith.constant 0 : i32
      %dma_wait3A_122 = arith.constant 0 : i32
      %dma_wait3A_123 = tpu.memref_slice %arg5[%rem3A_107, %dma_wait3A_120, %dma_wait3A_121, %dma_wait3A_122] : memref<2x2x56x384xf32, #tpu.memory_space<vmem>> -> memref<1x2x56x384xf32, #tpu.memory_space<vmem>>
      %dma_wait3A_124 = tpu.memref_squeeze %dma_wait3A_123 : memref<1x2x56x384xf32, #tpu.memory_space<vmem>> -> memref<2x56x384xf32, #tpu.memory_space<vmem>>
      %dma_wait3A_125 = arith.constant 0 : i32
      %dma_wait3A_126 = arith.constant 0 : i32
      %dma_wait3A_127 = tpu.memref_slice %arg2[%select_n3A, %add3A_119, %dma_wait3A_125, %dma_wait3A_126] : memref<8x56x56x384xf32, #tpu.memory_space<hbm>> -> memref<1x2x56x384xf32, #tpu.memory_space<hbm>>
      %dma_wait3A_128 = tpu.memref_squeeze %dma_wait3A_127 : memref<1x2x56x384xf32, #tpu.memory_space<hbm>> -> memref<2x56x384xf32, #tpu.memory_space<hbm>>
      %dma_wait3A_129 = tpu.memref_slice %arg7[%rem3A_107] : memref<2x!tpu.dma_semaphore, #tpu.memory_space<semaphore_mem>> -> memref<1x!tpu.dma_semaphore, #tpu.memory_space<semaphore_mem>>
      %dma_wait3A_130 = tpu.memref_squeeze %dma_wait3A_129 : memref<1x!tpu.dma_semaphore, #tpu.memory_space<semaphore_mem>> -> memref<!tpu.dma_semaphore, #tpu.memory_space<semaphore_mem>>
      %dma_wait3A_131 = arith.constant 0 : i32
      %dma_wait3A_132 = arith.constant 0 : i32
      %dma_wait3A_133 = arith.constant 0 : i32
      %dma_wait3A_134 = tpu.memref_slice %arg5[%rem3A_107, %dma_wait3A_131, %dma_wait3A_132, %dma_wait3A_133] : memref<2x2x56x384xf32, #tpu.memory_space<vmem>> -> memref<1x2x56x384xf32, #tpu.memory_space<vmem>>
      %dma_wait3A_135 = tpu.memref_squeeze %dma_wait3A_134 : memref<1x2x56x384xf32, #tpu.memory_space<vmem>> -> memref<2x56x384xf32, #tpu.memory_space<vmem>>
      %dma_wait3A_136 = arith.constant 0 : i32
      %dma_wait3A_137 = arith.constant 0 : i32
      %dma_wait3A_138 = tpu.memref_slice %arg2[%select_n3A, %add3A_119, %dma_wait3A_136, %dma_wait3A_137] : memref<8x56x56x384xf32, #tpu.memory_space<hbm>> -> memref<1x2x56x384xf32, #tpu.memory_space<hbm>>
      %dma_wait3A_139 = tpu.memref_squeeze %dma_wait3A_138 : memref<1x2x56x384xf32, #tpu.memory_space<hbm>> -> memref<2x56x384xf32, #tpu.memory_space<hbm>>
      tpu.wait_dma2 semaphore(%dma_wait3A_130 : memref<!tpu.dma_semaphore, #tpu.memory_space<semaphore_mem>>) src(%dma_wait3A_139 : memref<2x56x384xf32, #tpu.memory_space<hbm>>) dst(%dma_wait3A_135 : memref<2x56x384xf32, #tpu.memory_space<vmem>>)
      %mul3A_140 = arith.constant 2 : i32
      %mul3A_141 = arith.muli %scan3A_105, %mul3A_140 : i32
      %add3A_142 = arith.addi %mul3A_32, %mul3A_141 : i32
      %dma_start3A_143 = arith.constant 0 : i32
      %dma_start3A_144 = arith.constant 0 : i32
      %dma_start3A_145 = arith.constant 0 : i32
      %dma_start3A_146 = tpu.memref_slice %arg5[%rem3A_107, %dma_start3A_143, %dma_start3A_144, %dma_start3A_145] : memref<2x2x56x384xf32, #tpu.memory_space<vmem>> -> memref<1x2x56x384xf32, #tpu.memory_space<vmem>>
      %dma_start3A_147 = tpu.memref_squeeze %dma_start3A_146 : memref<1x2x56x384xf32, #tpu.memory_space<vmem>> -> memref<2x56x384xf32, #tpu.memory_space<vmem>>
      %dma_start3A_148 = arith.constant 0 : i32
      %dma_start3A_149 = arith.constant 0 : i32
      %dma_start3A_150 = tpu.memref_slice %arg4[%select_n3A, %add3A_142, %dma_start3A_148, %dma_start3A_149] : memref<8x56x56x768xf32, #tpu.memory_space<hbm>> -> memref<1x2x56x384xf32, #tpu.memory_space<hbm>>
      %dma_start3A_151 = tpu.memref_squeeze %dma_start3A_150 : memref<1x2x56x384xf32, #tpu.memory_space<hbm>> -> memref<2x56x384xf32, #tpu.memory_space<hbm>>
      %dma_start3A_152 = tpu.memref_slice %arg8[%rem3A_107] : memref<2x!tpu.dma_semaphore, #tpu.memory_space<semaphore_mem>> -> memref<1x!tpu.dma_semaphore, #tpu.memory_space<semaphore_mem>>
      %dma_start3A_153 = tpu.memref_squeeze %dma_start3A_152 : memref<1x!tpu.dma_semaphore, #tpu.memory_space<semaphore_mem>> -> memref<!tpu.dma_semaphore, #tpu.memory_space<semaphore_mem>>
      %dma_start3A_154 = arith.constant 0 : i32
      %dma_start3A_155 = arith.constant 0 : i32
      %dma_start3A_156 = tpu.memref_slice %arg4[%select_n3A, %add3A_142, %dma_start3A_154, %dma_start3A_155] : memref<8x56x56x768xf32, #tpu.memory_space<hbm>> -> memref<1x2x56x384xf32, #tpu.memory_space<hbm>>
      %dma_start3A_157 = tpu.memref_squeeze %dma_start3A_156 : memref<1x2x56x384xf32, #tpu.memory_space<hbm>> -> memref<2x56x384xf32, #tpu.memory_space<hbm>>
      %dma_start3A_158 = arith.constant 0 : i32
      %dma_start3A_159 = arith.constant 0 : i32
      %dma_start3A_160 = arith.constant 0 : i32
      %dma_start3A_161 = tpu.memref_slice %arg5[%rem3A_107, %dma_start3A_158, %dma_start3A_159, %dma_start3A_160] : memref<2x2x56x384xf32, #tpu.memory_space<vmem>> -> memref<1x2x56x384xf32, #tpu.memory_space<vmem>>
      %dma_start3A_162 = tpu.memref_squeeze %dma_start3A_161 : memref<1x2x56x384xf32, #tpu.memory_space<vmem>> -> memref<2x56x384xf32, #tpu.memory_space<vmem>>
      tpu.enqueue_dma source(%dma_start3A_162 : memref<2x56x384xf32, #tpu.memory_space<vmem>>) target(%dma_start3A_157 : memref<2x56x384xf32, #tpu.memory_space<hbm>>) target_semaphore(%dma_start3A_153 : memref<!tpu.dma_semaphore, #tpu.memory_space<semaphore_mem>>)
      %mul3A_163 = arith.constant 2 : i32
      %mul3A_164 = arith.muli %scan3A_105, %mul3A_163 : i32
      %add3A_165 = arith.addi %mul3A_32, %mul3A_164 : i32
      %dma_start3A_166 = arith.constant 0 : i32
      %dma_start3A_167 = arith.constant 384 : i32
      %dma_start3A_168 = tpu.memref_slice %arg4[%select_n3A, %add3A_165, %dma_start3A_166, %dma_start3A_167] : memref<8x56x56x768xf32, #tpu.memory_space<hbm>> -> memref<1x2x56x384xf32, #tpu.memory_space<hbm>>
      %dma_start3A_169 = tpu.memref_squeeze %dma_start3A_168 : memref<1x2x56x384xf32, #tpu.memory_space<hbm>> -> memref<2x56x384xf32, #tpu.memory_space<hbm>>
      %dma_start3A_170 = arith.constant 0 : i32
      %dma_start3A_171 = arith.constant 384 : i32
      %dma_start3A_172 = tpu.memref_slice %arg4[%select_n3A, %add3A_165, %dma_start3A_170, %dma_start3A_171] : memref<8x56x56x768xf32, #tpu.memory_space<hbm>> -> memref<1x2x56x384xf32, #tpu.memory_space<hbm>>
      %dma_start3A_173 = tpu.memref_squeeze %dma_start3A_172 : memref<1x2x56x384xf32, #tpu.memory_space<hbm>> -> memref<2x56x384xf32, #tpu.memory_space<hbm>>
      tpu.enqueue_dma source(%arg6 : memref<2x56x384xf32, #tpu.memory_space<vmem>>) target(%dma_start3A_173 : memref<2x56x384xf32, #tpu.memory_space<hbm>>) target_semaphore(%arg9 : memref<!tpu.dma_semaphore, #tpu.memory_space<semaphore_mem>>)
      %ge3A = arith.constant 2 : i32
      %ge3A_174 = arith.cmpi sge, %scan3A_105, %ge3A : i32
      %convert_element_type3A_175 = arith.extui %ge3A_174 : i1 to i32
      %cond3A_176 = arith.constant 0 : i32
      %cond3A_177 = arith.cmpi ne, %convert_element_type3A_175, %cond3A_176 : i32
      scf.if %cond3A_177 {
        %sub3A_178 = arith.constant 2 : i32
        %sub3A_179 = arith.subi %scan3A_105, %sub3A_178 : i32
        %mul3A_180 = arith.constant 2 : i32
        %mul3A_181 = arith.muli %sub3A_179, %mul3A_180 : i32
        %add3A_182 = arith.addi %mul3A_32, %mul3A_181 : i32
        %dma_wait3A_183 = arith.constant 0 : i32
        %dma_wait3A_184 = arith.constant 384 : i32
        %dma_wait3A_185 = tpu.memref_slice %arg4[%select_n3A, %add3A_182, %dma_wait3A_183, %dma_wait3A_184] : memref<8x56x56x768xf32, #tpu.memory_space<hbm>> -> memref<1x2x56x384xf32, #tpu.memory_space<hbm>>
        %dma_wait3A_186 = tpu.memref_squeeze %dma_wait3A_185 : memref<1x2x56x384xf32, #tpu.memory_space<hbm>> -> memref<2x56x384xf32, #tpu.memory_space<hbm>>
        %dma_wait3A_187 = arith.constant 0 : i32
        %dma_wait3A_188 = arith.constant 384 : i32
        %dma_wait3A_189 = tpu.memref_slice %arg4[%select_n3A, %add3A_182, %dma_wait3A_187, %dma_wait3A_188] : memref<8x56x56x768xf32, #tpu.memory_space<hbm>> -> memref<1x2x56x384xf32, #tpu.memory_space<hbm>>
        %dma_wait3A_190 = tpu.memref_squeeze %dma_wait3A_189 : memref<1x2x56x384xf32, #tpu.memory_space<hbm>> -> memref<2x56x384xf32, #tpu.memory_space<hbm>>
        tpu.wait_dma2 semaphore(%arg9 : memref<!tpu.dma_semaphore, #tpu.memory_space<semaphore_mem>>) src(%arg6 : memref<2x56x384xf32, #tpu.memory_space<vmem>>) dst(%dma_wait3A_190 : memref<2x56x384xf32, #tpu.memory_space<hbm>>)
      } else {
      }
    }
    %scan3A_60 = arith.constant 7 : i32
    %rem3A_61 = arith.constant 6 : i32
    %rem3A_62 = arith.constant 2 : i32
    %rem3A_63 = arith.remsi %rem3A_61, %rem3A_62 : i32
    %add3A_64 = arith.constant 12 : i32
    %add3A_65 = arith.addi %mul3A_32, %add3A_64 : i32
    %dma_wait3A = arith.constant 0 : i32
    %dma_wait3A_66 = arith.constant 0 : i32
    %dma_wait3A_67 = arith.constant 0 : i32
    %dma_wait3A_68 = tpu.memref_slice %arg5[%rem3A_63, %dma_wait3A, %dma_wait3A_66, %dma_wait3A_67] : memref<2x2x56x384xf32, #tpu.memory_space<vmem>> -> memref<1x2x56x384xf32, #tpu.memory_space<vmem>>
    %dma_wait3A_69 = tpu.memref_squeeze %dma_wait3A_68 : memref<1x2x56x384xf32, #tpu.memory_space<vmem>> -> memref<2x56x384xf32, #tpu.memory_space<vmem>>
    %dma_wait3A_70 = arith.constant 0 : i32
    %dma_wait3A_71 = arith.constant 0 : i32
    %dma_wait3A_72 = tpu.memref_slice %arg4[%select_n3A, %add3A_65, %dma_wait3A_70, %dma_wait3A_71] : memref<8x56x56x768xf32, #tpu.memory_space<hbm>> -> memref<1x2x56x384xf32, #tpu.memory_space<hbm>>
    %dma_wait3A_73 = tpu.memref_squeeze %dma_wait3A_72 : memref<1x2x56x384xf32, #tpu.memory_space<hbm>> -> memref<2x56x384xf32, #tpu.memory_space<hbm>>
    %dma_wait3A_74 = tpu.memref_slice %arg8[%rem3A_63] : memref<2x!tpu.dma_semaphore, #tpu.memory_space<semaphore_mem>> -> memref<1x!tpu.dma_semaphore, #tpu.memory_space<semaphore_mem>>
    %dma_wait3A_75 = tpu.memref_squeeze %dma_wait3A_74 : memref<1x!tpu.dma_semaphore, #tpu.memory_space<semaphore_mem>> -> memref<!tpu.dma_semaphore, #tpu.memory_space<semaphore_mem>>
    %dma_wait3A_76 = arith.constant 0 : i32
    %dma_wait3A_77 = arith.constant 0 : i32
    %dma_wait3A_78 = tpu.memref_slice %arg4[%select_n3A, %add3A_65, %dma_wait3A_76, %dma_wait3A_77] : memref<8x56x56x768xf32, #tpu.memory_space<hbm>> -> memref<1x2x56x384xf32, #tpu.memory_space<hbm>>
    %dma_wait3A_79 = tpu.memref_squeeze %dma_wait3A_78 : memref<1x2x56x384xf32, #tpu.memory_space<hbm>> -> memref<2x56x384xf32, #tpu.memory_space<hbm>>
    %dma_wait3A_80 = arith.constant 0 : i32
    %dma_wait3A_81 = arith.constant 0 : i32
    %dma_wait3A_82 = arith.constant 0 : i32
    %dma_wait3A_83 = tpu.memref_slice %arg5[%rem3A_63, %dma_wait3A_80, %dma_wait3A_81, %dma_wait3A_82] : memref<2x2x56x384xf32, #tpu.memory_space<vmem>> -> memref<1x2x56x384xf32, #tpu.memory_space<vmem>>
    %dma_wait3A_84 = tpu.memref_squeeze %dma_wait3A_83 : memref<1x2x56x384xf32, #tpu.memory_space<vmem>> -> memref<2x56x384xf32, #tpu.memory_space<vmem>>
    tpu.wait_dma2 semaphore(%dma_wait3A_75 : memref<!tpu.dma_semaphore, #tpu.memory_space<semaphore_mem>>) src(%dma_wait3A_84 : memref<2x56x384xf32, #tpu.memory_space<vmem>>) dst(%dma_wait3A_79 : memref<2x56x384xf32, #tpu.memory_space<hbm>>)
    %add3A_85 = arith.constant 10 : i32
    %add3A_86 = arith.addi %mul3A_32, %add3A_85 : i32
    %dma_wait3A_87 = arith.constant 0 : i32
    %dma_wait3A_88 = arith.constant 384 : i32
    %dma_wait3A_89 = tpu.memref_slice %arg4[%select_n3A, %add3A_86, %dma_wait3A_87, %dma_wait3A_88] : memref<8x56x56x768xf32, #tpu.memory_space<hbm>> -> memref<1x2x56x384xf32, #tpu.memory_space<hbm>>
    %dma_wait3A_90 = tpu.memref_squeeze %dma_wait3A_89 : memref<1x2x56x384xf32, #tpu.memory_space<hbm>> -> memref<2x56x384xf32, #tpu.memory_space<hbm>>
    %dma_wait3A_91 = arith.constant 0 : i32
    %dma_wait3A_92 = arith.constant 384 : i32
    %dma_wait3A_93 = tpu.memref_slice %arg4[%select_n3A, %add3A_86, %dma_wait3A_91, %dma_wait3A_92] : memref<8x56x56x768xf32, #tpu.memory_space<hbm>> -> memref<1x2x56x384xf32, #tpu.memory_space<hbm>>
    %dma_wait3A_94 = tpu.memref_squeeze %dma_wait3A_93 : memref<1x2x56x384xf32, #tpu.memory_space<hbm>> -> memref<2x56x384xf32, #tpu.memory_space<hbm>>
    tpu.wait_dma2 semaphore(%arg9 : memref<!tpu.dma_semaphore, #tpu.memory_space<semaphore_mem>>) src(%arg6 : memref<2x56x384xf32, #tpu.memory_space<vmem>>) dst(%dma_wait3A_94 : memref<2x56x384xf32, #tpu.memory_space<hbm>>)
    %add3A_95 = arith.constant 12 : i32
    %add3A_96 = arith.addi %mul3A_32, %add3A_95 : i32
    %dma_wait3A_97 = arith.constant 0 : i32
    %dma_wait3A_98 = arith.constant 384 : i32
    %dma_wait3A_99 = tpu.memref_slice %arg4[%select_n3A, %add3A_96, %dma_wait3A_97, %dma_wait3A_98] : memref<8x56x56x768xf32, #tpu.memory_space<hbm>> -> memref<1x2x56x384xf32, #tpu.memory_space<hbm>>
    %dma_wait3A_100 = tpu.memref_squeeze %dma_wait3A_99 : memref<1x2x56x384xf32, #tpu.memory_space<hbm>> -> memref<2x56x384xf32, #tpu.memory_space<hbm>>
    %dma_wait3A_101 = arith.constant 0 : i32
    %dma_wait3A_102 = arith.constant 384 : i32
    %dma_wait3A_103 = tpu.memref_slice %arg4[%select_n3A, %add3A_96, %dma_wait3A_101, %dma_wait3A_102] : memref<8x56x56x768xf32, #tpu.memory_space<hbm>> -> memref<1x2x56x384xf32, #tpu.memory_space<hbm>>
    %dma_wait3A_104 = tpu.memref_squeeze %dma_wait3A_103 : memref<1x2x56x384xf32, #tpu.memory_space<hbm>> -> memref<2x56x384xf32, #tpu.memory_space<hbm>>
    tpu.wait_dma2 semaphore(%arg9 : memref<!tpu.dma_semaphore, #tpu.memory_space<semaphore_mem>>) src(%arg6 : memref<2x56x384xf32, #tpu.memory_space<vmem>>) dst(%dma_wait3A_104 : memref<2x56x384xf32, #tpu.memory_space<hbm>>)
    return
  }
}

</mosaic_0001>

<sc_bundles>
// kernel: kernel.3.cloned.1.call-start
scs
__scs_entry_jumppad:
0x0: {  	(pc) =	sbr.rel $0x88, $3  }
0x1: {  	(tag) =	ssettag $0x0;
	lr =	simm.s32 $0x1  }
0x2: {  	[smem:$0x3FA0] =	sst lr;
	_ =	strace $0xD0000000  }
0x3: {  	_ = 	snop  }
0x4: {  	_ = 	snop  }
0x5: {  	_ = 	snop  }
0x6: {  	_ = 	snop  }
0x7: {  	_ = 	snop  }
__scs_overlays_trampoline_lowered:
0x8: {  	[smem:$0x3FAF] =	sst s0  }
0x9: {  	[smem:$0x3FB0] =	sst s1  }
0xa: {  	[smem:$0x3FB1] =	sst s2  }
0xb: {  	[smem:$0x3FB2] =	sst s3  }
0xc: {  	[smem:$0x3FB3] =	sst s4  }
0xd: {  	[smem:$0x3FB4] =	sst s5  }
0xe: {  	[smem:$0x3FB5] =	sst s6  }
0xf: {  	[smem:$0x3FB6] =	sst s7  }
0x10: {  	[smem:$0x3FB7] =	sst s8  }
0x11: {  	[smem:$0x3FB8] =	sst s9;
	s0 =	simm.s32 @!p0 $0x0  }
0x12: {  	s1 =	sld [smem:$0x3F9E];
	s0 =	simm.s32 @p0 $0x1  }
0x13: {  	[smem:$0x3FB9] =	sst s0;
	s0 =	simm.s32 @!p1 $0x0  }
0x14: {  	s2 =	sld [smem:$0x3F9D];
	s0 =	simm.s32 @p1 $0x1  }
0x15: {  	[smem:$0x3FBA] =	sst s0;
	s0 =	simm.s32 @!p2 $0x0  }
0x16: {  	s3 =	sld [smem:$0x3FDB];
	s0 =	simm.s32 @p2 $0x1  }
0x17: {  	s4 =	simm.s32 $0x1BF5;
	[smem:$0x3FBC] =	sst s0  }
0x18: {  	s0 =	sld [smem:$0x3F9F];
	_ =	swait.ge [sflag:s4], $0x0  }
0x19: {  	s7 =	sld [smem:$0x3FA0]  }
0x1a: {  	s8 =	sadd.s32 $0xFFFFE003, lr  }
0x1b: {  	s9 =	sadd.s32 $0xFFFFFEF7, lr;
	s5 =	simm.s32 $0xFFFFFFFF;
	p2 =	slt.u32 s8, $0xFFFFF086  }
0x1c: {  	p1 =	slt.u32 s9, $0xF7A;
	s5 =	simm.s32 @!p2 $0x0  }
0x1d: {  	s5 =	simm.s32 @p1 $0x1;
	p0 =	seq.s32 s7, s2  }
0x1e: {  	s7 =	smul.u32 @!p0 $0xF7A, s2;
	p2 =	seq.s32 @!p0 s5, $0x0  }
0x1f: {  	s9 =	smul.u32 $0xF7A, s1;
	s8 =	simm.s32 @!p0 $0x1BF5;
	p2 =	por !p2, p0  }
0x20: {  	[sflag:s8] =	ssyncset.s32 @!p0 $0xFFFFF086;
	s6 =	sadd.s32 @!p0 s3, s7;
	s7 =	simm.s32 @!p0 $0x108  }
0x21: {  	s3 =	sadd.s32 s3, s9;
	s6 =	sadd.s32 @!p0 $0x88, s6;
	s7 =	simm.s32 @p2 $0x1082  }
0x22: {  	[simem:s7], [sflag:s8] =	dma.local @!p0 [hbm:s6], $0xF7A  }
0x23: {  	s9 =	sor.u32 $0xD0000000, s2;
	s6 =	simm.s32 $0x108;
	_ =	swait.ge @!p0 [sflag:s8], $0x0  }
0x24: {  	s3 =	sadd.s32 $0x88, s3;
	s6 =	simm.s32 @!p1 $0x1082;
	[sflag:s4] =	ssyncset.s32 $0xFFFFF086  }
0x25: {  	[simem:s6], [sflag:s4] =	dma.local [hbm:s3], $0xF7A  }
0x26: {  	[smem:$0x3FA0] =	sst s1;
	(tag) =	ssettag s2;
	_ =	strace s9  }
0x27: {  	s1 =	sld [smem:$0x3FB0]  }
0x28: {  	s2 =	sld [smem:$0x3FB1]  }
0x29: {  	s4 =	sld [smem:$0x3FB3]  }
0x2a: {  	p0 =	seq.s32 s5, $0x0;
	s5 =	sld [smem:$0x3FB4]  }
0x2b: {  	s6 =	sld [smem:$0x3FB5]  }
0x2c: {  	s7 =	sld [smem:$0x3FB6]  }
0x2d: {  	s3 =	simm.s32 $0x108;
	s8 =	sld [smem:$0x3FB7]  }
0x2e: {  	s3 =	simm.s32 @!p0 $0x1082;
	s9 =	sld [smem:$0x3FB8]  }
0x2f: {  	lr =	sadd.s32 s0, s3;
	s0 =	sld [smem:$0x3FAF]  }
0x30: {  	s3 =	sld [smem:$0x3FB2]  }
0x31: {  	[smem:$0x3FBB] =	sst s10  }
0x32: {  	s10 =	sld [smem:$0x3FB9];
	_ =	sdelay $0x3  }
0x33: {  	p0 =	seq.s32 s10, $0x1;
	s10 =	sld [smem:$0x3FBB];
	_ =	sdelay $0x3  }
0x34: {  	[smem:$0x3FBB] =	sst s10  }
0x35: {  	s10 =	sld [smem:$0x3FBA];
	_ =	sdelay $0x3  }
0x36: {  	p1 =	seq.s32 s10, $0x1;
	s10 =	sld [smem:$0x3FBB];
	_ =	sdelay $0x3  }
0x37: {  	[smem:$0x3FBB] =	sst s10  }
0x38: {  	s10 =	sld [smem:$0x3FBC]  }
0x39: {  	_ = 	snop;
	(pc) =	sbr.ind lr, $3  }
0x3a: {  	_ = 	snop  }
0x3b: {  	_ = 	snop  }
0x3c: {  	p2 =	seq.s32 s10, $0x1;
	s10 =	sld [smem:$0x3FBB]  }
0x3d: {  	_ =	shalt  }
0x3e: {  	_ =	shalt  }
0x3f: {  	_ =	shalt  }
0x40: {  	_ =	shalt  }
0x41: {  	_ =	shalt  }
0x42: {  	_ =	shalt  }
0x43: {  	_ =	shalt  }
0x44: {  	_ =	shalt  }
0x45: {  	_ =	shalt  }
0x46: {  	_ =	shalt  }
0x47: {  	_ =	shalt  }
0x48: {  	_ =	shalt  }
0x49: {  	_ =	shalt  }
0x4a: {  	_ =	shalt  }
0x4b: {  	_ =	shalt  }
0x4c: {  	_ =	shalt  }
0x4d: {  	_ =	shalt  }
0x4e: {  	_ =	shalt  }
0x4f: {  	_ =	shalt  }
0x50: {  	_ =	shalt  }
0x51: {  	_ =	shalt  }
0x52: {  	_ =	shalt  }
0x53: {  	_ =	shalt  }
0x54: {  	_ =	shalt  }
0x55: {  	_ =	shalt  }
0x56: {  	_ =	shalt  }
0x57: {  	_ =	shalt  }
0x58: {  	_ =	shalt  }
0x59: {  	_ =	shalt  }
0x5a: {  	_ =	shalt  }
0x5b: {  	_ =	shalt  }
0x5c: {  	_ =	shalt  }
0x5d: {  	_ =	shalt  }
0x5e: {  	_ =	shalt  }
0x5f: {  	_ =	shalt  }
0x60: {  	_ =	shalt  }
0x61: {  	_ =	shalt  }
0x62: {  	_ =	shalt  }
0x63: {  	_ =	shalt  }
0x64: {  	_ =	shalt  }
0x65: {  	_ =	shalt  }
0x66: {  	_ =	shalt  }
0x67: {  	_ =	shalt  }
0x68: {  	_ =	shalt  }
0x69: {  	_ =	shalt  }
0x6a: {  	_ =	shalt  }
0x6b: {  	_ =	shalt  }
0x6c: {  	_ =	shalt  }
0x6d: {  	_ =	shalt  }
0x6e: {  	_ =	shalt  }
0x6f: {  	_ =	shalt  }
0x70: {  	_ =	shalt  }
0x71: {  	_ =	shalt  }
0x72: {  	_ =	shalt  }
0x73: {  	_ =	shalt  }
0x74: {  	_ =	shalt  }
0x75: {  	_ =	shalt  }
0x76: {  	_ =	shalt  }
0x77: {  	_ =	shalt  }
0x78: {  	_ =	shalt  }
0x79: {  	_ =	shalt  }
0x7a: {  	_ =	shalt  }
0x7b: {  	_ =	shalt  }
0x7c: {  	_ =	shalt  }
0x7d: {  	_ =	shalt  }
0x7e: {  	_ =	shalt  }
0x7f: {  	_ =	shalt  }
0x80: {  	_ =	shalt  }
0x81: {  	_ =	shalt  }
0x82: {  	_ =	shalt  }
0x83: {  	_ =	shalt  }
0x84: {  	_ =	shalt  }
0x85: {  	_ =	shalt  }
0x86: {  	_ =	shalt  }
0x87: {  	_ =	shalt  }
.Lfunc_end0:
.L_simem_size_0:
called_computation_lowered:
.L_overlay_start_0:
0x88: {  	s2 =	sld [smem:$0x3FD9]  }
0x89: {  	s3 =	sld [smem:$0x3FFE];
	_ =	sdelay $0x1  }
0x8a: {  	s1 =	srdreg.scid  }
0x8b: {  	s0 =	sand.u32 $0x1, s1  }
0x8c: {  	s17 =	sshll.u32 s0, $0xA;
	s2 =	sadd.s32 s3, s2  }
0x8d: {  	s2 =	sadd.s32 s2, s17  }
0x8e: {  	[smem:$0x3FC7] =	sst s2  }
0x8f: {  	_ = 	snop  }
0x90: {  	s2 =	sld [smem:$0x3FC9]  }
0x91: {  	s18 =	sld [smem:$0x3FD0];
	(tm) =	ssettm $0x1  }
0x92: {  	s4 =	sld [smem:$0x3FFB];
	_ =	sdelay $0x3  }
0x93: {  	_ =	strace s4  }
0x94: {  	s4 =	sld [smem:$0x3FFC];
	_ =	sdelay $0x3  }
0x95: {  	_ =	strace s4  }
0x96: {  	s4 =	sld [smem:$0x3FFD];
	_ =	sdelay $0x3  }
0x97: {  	_ =	strace s4  }
0x98: {  	_ =	strace $0x8FFFFFFF  }
0x99: {  	s19 =	sld [smem:$0x3FDB];
	_ =	sdelay $0x1  }
0x9a: {  	s5 =	simm.s32 $_scs_section_size  }
0x9b: {  	s6 =	simm.s32 $_size__tile_overlayer_lowered;
	s7 =	simm.s32 $_tile_overlayer_lowered  }
0x9c: {  	s22 =	simm.s32 $0x1BFF;
	s21 =	sshll.u32 s7, $0x1;
	s4 =	sadd.s32 s5, s19  }
0x9d: {  	s8 =	simm.s32 $0x0;
	s20 =	sshll.u32 s6, $0x1;
	s6 =	sadd.s32 s21, s4  }
0x9e: {  	[timem:s8], [sflag:s22] =	dma.local [hbm:s6], s20  }
0x9f: {  	_ =	swait.ge [sflag:s22], s20  }
0xa0: {  	s5 =	ssub.s32 $0x0, s20;
	[sflag:s22] =	ssyncset.done $0x0  }
0xa1: {  	[sflag:s22] =	ssyncadd.s32 s5;
	_ =	sdelay $0x1  }
0xa2: {  	s23 =	simm.s32 $0x1B8B  }
0xa3: {  	_ =	swait.ge [sflag:s23], $0x1  }
0xa4: {  	[sflag:s23] =	ssyncset.done $0x0  }
0xa5: {  	s25 =	simm.s32 $0x1B8E;
	s24 =	sld [smem:$0x3FFE];
	[sflag:s23] =	ssyncadd.s32 $0xFFFFFFFF  }
0xa6: {  	s26 =	simm.s32 $execute0_lowered;
	[smem:$0x3FD2] =	sst s25  }
0xa7: {  	s6 =	sshll.u32 s26, $0x1;
	_ =	strace $0x80000046;
	[dreg:$0x1] =	wrdreg $0xFFFFFFFF  }
0xa8: {  	s28 =	simm.s32 $_size_execute0_lowered;
	s4 =	sadd.s32 s4, s6;
	[dreg:$0x0] =	wrdreg $0x0  }
0xa9: {  	s6 =	sshll.u32 s28, $0x1;
	[dreg:$0x2] =	wrdreg s4  }
0xaa: {  	[dreg:$0x3] =	wrdreg s6  }
0xab: {  	[dreg:$0x4] =	wrdreg $0xC0  }
0xac: {  	_ =	task [dreg:s8], $0x5FFFF  }
0xad: {  	[dreg:$0x1] =	wrdreg $0xFFFFFFFF  }
0xae: {  	[dreg:$0x0] =	wrdreg $0x60  }
0xaf: {  	[dreg:$0x2] =	wrdreg s2  }
0xb0: {  	[dreg:$0x3] =	wrdreg s24  }
0xb1: {  	[dreg:$0x4] =	wrdreg s18  }
0xb2: {  	[dreg:$0x5] =	wrdreg $0x9  }
0xb3: {  	_ =	task.clear_ibuf [dreg:s8], $0x6FFFF;
	_ =	strace $0x90000046  }
0xb4: {  	s29 =	simm.s32 $0x9;
	_ =	strace $0x80000048  }
0xb5: {  	_ =	swait.ge [sflag:s29], $0x1  }
0xb6: {  	[sflag:s29] =	ssyncadd.s32 $0xFFFFFFFF  }
0xb7: {  	_ =	strace $0x90000048  }
0xb8: {  	_ =	sfence  }
0xb9: {  	s30 =	sld [smem:$0x0];
	_ =	sdelay $0x2  }
0xba: {  	s31 =	sshll.u32 s1, $0xD;
	s1 =	sshrl.u32 s1, $0x2  }
0xbb: {  	s3 =	sand.u32 $0x4000, s31;
	s1 =	sadd.s32 s1, s30  }
0xbc: {  	s0 =	sor.u32 s3, s0;
	s1 =	sshll.u32 s1, $0x11  }
0xbd: {  	s0 =	sor.u32 s1, s0  }
0xbe: {  	s0 =	sadd.s32 $0x8F2B, s0  }
0xbf: {  	[sflag:s0] =	ssyncadd.remote.s32 $0x1  }
0xc0: {  	_ =	sfence.sel $0xFFFF  }
0xc1: {  	[dreg:$0x0] =	wrdreg $0xFFFFFFFF;
	(pc) =	sbr.abs _section_cstart, $3  }
0xc2: {  	[dreg:$0x1] =	wrdreg $0xFFFFFFFF  }
0xc3: {  	_ =	task.clear_ibuf [dreg:s8], $0x2FFFF;
	_ =	strace $0x9FFFFFFF  }
0xc4: {  	(tm) =	ssettm $0x7FFFFFFF  }
0xc5: {  	_ =	shalt  }
tec
execute0_lowered:
.L_overlay_start_1:
0x0: {  	(tag) =	ssettag $0x1  }
0x1: {  	s2 =	rddreg [dreg:$0x0]  }
0x2: {  	s4 =	rddreg [dreg:$0x1]  }
0x3: {  	s7 =	rddreg [dreg:$0x2];
	s1 =	stileid.u32  }
0x4: {  	s0 =	rddreg [dreg:$0x3];
	s3 =	srdreg.scid;
	s8 =	sshrl.u32 s1, $0x1  }
0x5: {  	s14 =	simm.s32 $0x5;
	s15 =	simm.s32 $0x0;
	s9 =	smul.u32 $0x126000, s8  }
0x6: {  	s5 =	sshll.u32 s1, $0x1;
	s11 =	sand.u32 $0x1, s1;
	s8 =	smul.u32 $0x24C000, s8  }
0x7: {  	s6 =	sand.u32 $0x1, s3;
	s3 =	simm.s32 $0x0;
	s13 =	smul.u32 $0x126000, s11  }
0x8: {  	s4 =	sadd.s32 $0x400, s4;
	s5 =	sand.u32 $0x2, s5;
	s29 =	smul.u32 $0x93000, s6  }
0x9: {  	[smem:$0x7FF] =	sst s3;
	s10 =	ssub.s32 $0x2, s6;
	s11 =	smul.u32 $0x93000, s11  }
0xa: {  	s30 =	smul.u32 $0x49800, s6;
	s5 =	sor.u32 s6, s5;
	s12 =	sshrl.u32 s10, $0x1  }
0xb: {  	_ =	strace $0x80000047;
	s5 =	smul.u32 $0x49800, s5;
	s10 =	ssub.s32 s10, s12  }
0xc: {  	s8 =	sadd.s32 s13, s8;
	s12 =	simm.s32 $0x1800;
	s13 =	simm.s32 $0x3  }
.Ltmp0:
0xd: {  	s8 =	sadd.s32 s29, s8;
	s6 =	smax.u32 s10, $0x1;
	(pc) =	sbr.rel .LBB2_1-.Ltmp0, $4  }
0xe: {  	s10 =	simm.s32 $0x6;
	s5 =	sadd.s32 s9, s5;
	s8 =	sshrl.u32 s8, $0x3  }
0xf: {  	s9 =	sadd.s32 s11, s9;
	s11 =	simm.s32 $0xC00;
	s5 =	sshrl.u32 s5, $0x3  }
0x10: {  	s7 =	sadd.s32 s8, s7;
	s31 =	sadd.s32 s30, s9;
	s9 =	simm.s32 $0x15000  }
0x11: {  	s5 =	sadd.s32 s2, s5;
	s7 =	sadd.s32 $0x180, s7;
	s8 =	sadd.s32 $0xA800, s31  }
.LBB2_7:
0x12: {  	_ =	swait.ge [sflag:s13], $0xA800  }
0x13: {  	[sflag:s13] =	ssyncset.done $0x0  }
0x14: {  	s15 =	sadd.s32 $0x1, s15;
	[sflag:s13] =	ssyncadd.s32 $0xFFFF5800  }
0x15: {  	p0 =	sne.s32 s15, s6;
	_ =	swait.ge [sflag:s14], $0xA800  }
.Ltmp1:
0x16: {  	[sflag:s14] =	ssyncset.done $0x0;
	(pc) =	sbr.rel @!p0 .LBB2_8-.Ltmp1, $4  }
0x17: {  	[sflag:s14] =	ssyncadd.s32 $0xFFFF5800  }
0x18: {  	_ =	swait.ge [sflag:s14], $0xA800  }
0x19: {  	[sflag:s14] =	ssyncset.done $0x0  }
0x1a: {  	[sflag:s14] =	ssyncadd.s32 $0xFFFF5800  }
.LBB2_1:
0x1b: {  	[tilespmem:s9], [sflag:$0x6] =	stream.linear.gather [hbm4b:s4+s3], $0xA800, $0x38;
	[tilespmem:$0x1F800] =	vst v63  }
.Ltmp2:
0x1c: {  	_ = 	snop;
	(pc) =	sbr.rel .LBB2_2-.Ltmp2, $4  }
0x1d: {  	_ =	swait.ge [sflag:s10], $0xA800  }
0x1e: {  	s16 =	smov.u32 s8;
	[sflag:s10] =	ssyncset.done $0x0  }
0x1f: {  	s17 =	smov.u32 s7;
	s19 =	simm.s32 $0x0;
	[sflag:s10] =	ssyncadd.s32 $0xFFFF5800  }
0x20: {  	[tilespmem:s3], [sflag:$0x1] =	stream.linear.gather [hbm4b:s5+s3], $0xA800, $0x38;
	[tilespmem:$0x1F800] =	vst v63  }
.LBB2_5:
0x21: {  	s21 =	smul.u32 $0x2A000, s20  }
0x22: {  	s22 =	sshrl.u32 s16, $0x3  }
0x23: {  	s31 =	sadd.s32 $0x1, s20;
	s22 =	sadd.s32 s2, s22;
	s21 =	sshrl.u32 s21, $0x2  }
0x24: {  	[tilespmem:s21], [sflag:s31] =	stream.linear.gather [hbm4b:s22+s3], $0xA800, $0x38;
	[tilespmem:$0x1F800] =	vst v63  }
.LBB2_6:
0x25: {  	s20 =	sand.u32 $0x1, s19  }
0x26: {  	s21 =	sadd.s32 $0x1, s20  }
0x27: {  	s31 =	sadd.s32 $0xFFFFFE80, s17;
	s22 =	smul.u32 $0x2A000, s20;
	_ =	swait.ge [sflag:s21], $0xA800  }
0x28: {  	p0 =	slt.u32 s19, $0x2;
	p1 =	sne.s32 s18, $0x7;
	[sflag:s21] =	ssyncset.done $0x0  }
0x29: {  	s20 =	sadd.s32 $0x3, s20;
	s30 =	sshrl.u32 s22, $0x2;
	[sflag:s21] =	ssyncadd.s32 $0xFFFF5800  }
0x2a: {  	[hbm4b:s31+s11] =	stream.strided.scatter [tilespmem:s30], [sflag:s20], $0xA800, s12, s11, $0x38;
	[tilespmem:$0x1F800] =	vst v63  }
.Ltmp3:
0x2b: {  	s19 =	simm.s32 @!p0 $0x5;
	(pc) =	sbr.rel @!p1 .LBB2_7-.Ltmp3, $4  }
0x2c: {  	[hbm4b:s17+s11] =	stream.strided.scatter [tilespmem:s9], [sflag:$0x5], $0xA800, s12, s11, $0x38;
	[tilespmem:$0x1F800] =	vst v63  }
0x2d: {  	_ =	swait.ge @!p0 [sflag:s19], $0xA800  }
0x2e: {  	s16 =	sadd.s32 $0xA800, s16;
	[sflag:s19] =	ssyncset.done @!p0 $0x0  }
0x2f: {  	s17 =	sadd.s32 $0x2A00, s17;
	[sflag:s19] =	ssyncadd.s32 @!p0 $0xFFFF5800;
	s19 =	smov.u32 s18  }
.LBB2_2:
0x30: {  	p0 =	seq.s32 s19, $0x0  }
.Ltmp4:
0x31: {  	_ = 	snop;
	(pc) =	sbr.rel @p0 .LBB2_5-.Ltmp4, $3  }
0x32: {  	_ =	sdelay $0x1  }
0x33: {  	s18 =	sadd.s32 $0x1, s19  }
0x34: {  	s20 =	sand.u32 $0x1, s18  }
0x35: {  	p0 =	seq.s32 s19, $0x6  }
.Ltmp5:
0x36: {  	_ = 	snop;
	(pc) =	sbr.rel @p0 .LBB2_6-.Ltmp5, $1  }
0x37: {  	_ =	sdelay $0x3  }
.Ltmp6:
0x38: {  	(pc) =	sbr.rel .LBB2_5-.Ltmp6, $4  }
0x39: {  	s21 =	sadd.s32 $0x3, s20  }
0x3a: {  	_ =	swait.ge [sflag:s21], $0xA800  }
0x3b: {  	[sflag:s21] =	ssyncset.done $0x0  }
0x3c: {  	[sflag:s21] =	ssyncadd.s32 $0xFFFF5800  }
.LBB2_8:
0x3d: {  	_ =	sfence.sel $0x180000  }
0x3e: {  	[bflag:$0x0] =	sbarrier.arrive $0xFFFF  }
0x3f: {  	p0 =	sne.s32 s1, $0x0;
	_ =	strace $0x90000047  }
0x40: {  	s0 =	sadd.s32 @!p0 $0x100000, s0;
	[bflag:$0x2] =	sbarrier.arrive $0xFFFF  }
0x41: {  	[sflag:s0] =	ssyncadd.tile.s32 @!p0 $0x1;
	_ =	shalt  }
.Lfunc_end2:
_tile_overlayer_lowered:
.L_overlay_start_2:
0x42: {  	(tag) =	ssettag $0x2  }
0x43: {  	s0 =	rddreg [dreg:$0x0];
	s2 =	stileid.u32  }
0x44: {  	s1 =	rddreg [dreg:$0x1];
	p0 =	sne.s32 s2, $0x0  }
0x45: {  	s3 =	rddreg [dreg:$0x2];
	[bflag:$0x3] =	sbarrier.arrive $0xFFFF;
	s2 =	simm.s32 @!p0 $0x1C06  }
0x46: {  	[timem:s3], [sflag:s2] =	dma.local @!p0 [hbm:s0], s1  }
0x47: {  	s0 =	simm.s32 @!p0 $0x6  }
0x48: {  	_ =	swait.ge @!p0 [sflag:s0], s1  }
0x49: {  	s1 =	ssub.s32 @!p0 $0x0, s1;
	[sflag:s0] =	ssyncset.done @!p0 $0x0  }
0x4a: {  	[sflag:s0] =	ssyncadd.s32 @!p0 s1  }
0x4b: {  	[bflag:$0x3] =	sbarrier.arrive $0xFFFF  }
0x4c: {  	_ =	shalt  }

</sc_bundles>
